<compile_context>
chip_gen: v7x
topology: tpu7x:2x2x1
jax: 0.10.2.dev20260603
libtpu: 0.0.44.dev20260713+nightly
codegen_flags: <defaults>
</compile_context>

<pallas_src>
import functools

import jax
import jax.numpy as jnp
from jax import lax
from jax.experimental import pallas as pl
from jax.experimental.pallas import tpu as pltpu
from jax.experimental.pallas import tpu_sc as plsc

S = 64.0
MARGIN_MEAN = 0.5
MARGIN_STD = 0.05


@functools.lru_cache(maxsize=None)
def _sc_fix_fn(B, C):
  info = plsc.get_sparse_core_info()
  L = info.num_lanes
  NW = info.num_cores * info.num_subcores
  assert B % (NW * L) == 0
  bpw = B // NW

  mesh = plsc.VectorSubcoreMesh(core_axis_name="c", subcore_axis_name="s")

  @functools.partial(
      pl.kernel,
      mesh=mesh,
      out_type=jax.ShapeDtypeStruct((B,), jnp.float32),
      scratch_types=[
          pltpu.VMEM((bpw,), jnp.int32),
          pltpu.VMEM((bpw,), jnp.int32),
          pltpu.VMEM((bpw,), jnp.float32),
          pltpu.VMEM((bpw,), jnp.float32),
          pltpu.VMEM((bpw,), jnp.float32),
          pltpu.VMEM((bpw,), jnp.float32),
          pltpu.SemaphoreType.DMA,
      ],
  )
  def sc_fix(ltf_hbm, lab_hbm, cos_hbm, sin_hbm, fix_hbm,
             lab_v, idx_v, x_v, cos_v, sin_v, fix_v, sem):
    wid = lax.axis_index("s") * info.num_cores + lax.axis_index("c")
    base = wid * bpw
    pltpu.sync_copy(lab_hbm.at[pl.ds(base, bpw)], lab_v)
    pltpu.sync_copy(cos_hbm.at[pl.ds(base, bpw)], cos_v)
    pltpu.sync_copy(sin_hbm.at[pl.ds(base, bpw)], sin_v)
    for j in range(bpw // L):
      rows = base + j * L + lax.iota(jnp.int32, L)
      lab = lab_v[pl.ds(j * L, L)]
      idx_v[pl.ds(j * L, L)] = ((lab >> 3) * (8 * B) + (rows >> 7) * 1024
                                + (lab & 7) * 128 + (rows & 127))
    pltpu.async_copy(ltf_hbm.at[idx_v], x_v, sem).wait()
    for j in range(bpw // L):
      sl = pl.ds(j * L, L)
      x = x_v[sl]
      y = jnp.maximum(1.0 - x * x, 0.0)
      ys = jnp.maximum(y, 1e-12)
      bits = lax.bitcast_convert_type(ys, jnp.int32)
      r = lax.bitcast_convert_type(0x5F3759DF - (bits >> 1), jnp.float32)
      for _ in range(3):
        r = r * (1.5 - 0.5 * ys * r * r)
      sq = y * r
      fix_v[sl] = S * (x * cos_v[sl] - sq * sin_v[sl])
    pltpu.sync_copy(fix_v, fix_hbm.at[pl.ds(base, bpw)])

  return sc_fix


@functools.lru_cache(maxsize=None)
def _tc_patch_fn(B, C, Cb=2048):
  grid = (pl.cdiv(C, Cb),)

  def body(lab_ref, fix_ref, x_ref, o_ref):
    i = pl.program_id(0)
    rows = i * Cb + lax.broadcasted_iota(jnp.int32, (Cb, B), 0)
    o_ref[...] = jnp.where(rows == lab_ref[...], fix_ref[...],
                           x_ref[...] * S)

  return pl.pallas_call(
      body,
      grid=grid,
      in_specs=[
          pl.BlockSpec((1, B), lambda i: (0, 0)),
          pl.BlockSpec((1, B), lambda i: (0, 0)),
          pl.BlockSpec((Cb, B), lambda i: (i, 0)),
      ],
      out_specs=pl.BlockSpec((Cb, B), lambda i: (i, 0)),
      out_shape=jax.ShapeDtypeStruct((C, B), jnp.float32),
      compiler_params=pltpu.CompilerParams(
          vmem_limit_bytes=128 * 1024 * 1024),
  )


def kernel(logits, label):
  B, C = logits.shape
  lab = label.reshape(-1).astype(jnp.int32)
  margin = MARGIN_MEAN + MARGIN_STD * jax.random.normal(
      jax.random.key(42), (B,), dtype=jnp.float32)
  cosm = jnp.cos(margin)
  sinm = jnp.sin(margin)
  phys = logits.reshape(B // 128, 128, C // 8, 8).transpose(2, 0, 3, 1)
  fix = _sc_fix_fn(B, C)(phys.reshape(-1), lab, cosm, sinm)
  out_t = _tc_patch_fn(B, C)(lab.reshape(1, B), fix.reshape(1, B),
                             logits.T)
  return out_t.T

# --- scband reference (transcript-rebuilt; emitter-appended) ---
"""Pipeline reference for scband-elastic-arc-face-35012573397075 (READ-ONLY COPY).

The authoritative reference and input builder live on the scoring server;
editing this copy changes nothing except your own understanding.
"""

import jax, jax.numpy as jnp
import numpy as np

S = 64.0
M = 0.5
STD = 0.05


def setup_inputs(seed: int = 0) -> dict:
    key = jax.random.key(seed)
    k1, k2 = jax.random.split(key)
    logits = jax.random.uniform(k1, (1024, 100000), dtype=jnp.float32)
    label = jax.random.randint(k2, (1024, 1), 0, 100000, dtype=jnp.int32)
    return {"logits": logits, "label": label}


def reference(logits, label):
    B, C = logits.shape
    lab = label.reshape(-1)
    # index = torch.where(label != -1)[0]
    index = jnp.nonzero(lab != -1, size=B)[0]
    n = index.shape[0]
    # margin ~ Normal(mean=m, std=std), one per valid sample (fixed key for determinism)
    margin = M + STD * jax.random.normal(jax.random.key(42), (n,), dtype=jnp.float32)
    # m_hot.scatter_(1, label[index], margin)
    m_hot = jnp.zeros((n, C), dtype=logits.dtype)
    m_hot = m_hot.at[jnp.arange(n), lab[index]].set(margin)
    # logits.acos_(); logits[index] += m_hot; logits.cos_().mul_(s)
    theta = jnp.arccos(logits)
    theta = theta.at[index].add(m_hot)
    out = jnp.cos(theta) * S
    return out

if __name__ == "__main__":
    import jax
    _d = setup_inputs()
    print(jax.jit(kernel)(*tuple(_d.values())))

</pallas_src>

<mosaic_0001>
#map = affine_map<(d0, d1) -> (0)>
module attributes {stable_mosaic.version = 14 : i64} {
  func.func @sc_fix(%arg0: i32, %arg1: i32, %arg2: memref<102400000xf32, #tpu.memory_space<hbm>>, %arg3: memref<1024xi32, #tpu.memory_space<hbm>>, %arg4: memref<1024xf32, #tpu.memory_space<hbm>>, %arg5: memref<1024xf32, #tpu.memory_space<hbm>>, %arg6: memref<1024xf32, #tpu.memory_space<hbm>>, %arg7: memref<32xi32, #tpu.memory_space<vmem>>, %arg8: memref<32xi32, #tpu.memory_space<vmem>>, %arg9: memref<32xf32, #tpu.memory_space<vmem>>, %arg10: memref<32xf32, #tpu.memory_space<vmem>>, %arg11: memref<32xf32, #tpu.memory_space<vmem>>, %arg12: memref<32xf32, #tpu.memory_space<vmem>>, %arg13: memref<!tpu.dma_semaphore, #tpu.memory_space<semaphore_mem>>) attributes {dimension_semantics = [#tpu.dimension_semantics<core_parallel>, #tpu.dimension_semantics<subcore_parallel>], iteration_bounds = array<i64: 2, 16>, scalar_prefetch = 0 : i64, scratch_operands = 7 : i64, tpu.core_type = #tpu.core_type<sc_vector_subcore>, window_params = [{transform_indices = #map}, {transform_indices = #map}, {transform_indices = #map}, {transform_indices = #map}, {transform_indices = #map}]} {
    %mul3A = arith.constant 2 : i32
    %mul3A_0 = arith.muli %arg1, %mul3A : i32
    %add3A = arith.addi %mul3A_0, %arg0 : i32
    %mul3A_1 = arith.constant 32 : i32
    %mul3A_2 = arith.muli %add3A, %mul3A_1 : i32
    "tpu.region"() ({
      %run_scoped3A = tpu.sem_alloc : memref<!tpu.dma_semaphore, #tpu.memory_space<semaphore_mem>>
      %dma_start3A_199 = tpu.memref_slice %arg3[%mul3A_2] : memref<1024xi32, #tpu.memory_space<hbm>> -> memref<32xi32, #tpu.memory_space<hbm>>
      %dma_start3A_200 = tpu.memref_slice %arg3[%mul3A_2] : memref<1024xi32, #tpu.memory_space<hbm>> -> memref<32xi32, #tpu.memory_space<hbm>>
      tpu.enqueue_dma source(%dma_start3A_200 : memref<32xi32, #tpu.memory_space<hbm>>) target(%arg7 : memref<32xi32, #tpu.memory_space<vmem>>) target_semaphore(%run_scoped3A : memref<!tpu.dma_semaphore, #tpu.memory_space<semaphore_mem>>)
      %dma_wait3A_201 = tpu.memref_slice %arg3[%mul3A_2] : memref<1024xi32, #tpu.memory_space<hbm>> -> memref<32xi32, #tpu.memory_space<hbm>>
      %dma_wait3A_202 = tpu.memref_slice %arg3[%mul3A_2] : memref<1024xi32, #tpu.memory_space<hbm>> -> memref<32xi32, #tpu.memory_space<hbm>>
      tpu.wait_dma2 semaphore(%run_scoped3A : memref<!tpu.dma_semaphore, #tpu.memory_space<semaphore_mem>>) src(%dma_wait3A_202 : memref<32xi32, #tpu.memory_space<hbm>>) dst(%arg7 : memref<32xi32, #tpu.memory_space<vmem>>)
      tpu.yield
    }) : () -> ()
    "tpu.region"() ({
      %run_scoped3A = tpu.sem_alloc : memref<!tpu.dma_semaphore, #tpu.memory_space<semaphore_mem>>
      %dma_start3A_199 = tpu.memref_slice %arg4[%mul3A_2] : memref<1024xf32, #tpu.memory_space<hbm>> -> memref<32xf32, #tpu.memory_space<hbm>>
      %dma_start3A_200 = tpu.memref_slice %arg4[%mul3A_2] : memref<1024xf32, #tpu.memory_space<hbm>> -> memref<32xf32, #tpu.memory_space<hbm>>
      tpu.enqueue_dma source(%dma_start3A_200 : memref<32xf32, #tpu.memory_space<hbm>>) target(%arg10 : memref<32xf32, #tpu.memory_space<vmem>>) target_semaphore(%run_scoped3A : memref<!tpu.dma_semaphore, #tpu.memory_space<semaphore_mem>>)
      %dma_wait3A_201 = tpu.memref_slice %arg4[%mul3A_2] : memref<1024xf32, #tpu.memory_space<hbm>> -> memref<32xf32, #tpu.memory_space<hbm>>
      %dma_wait3A_202 = tpu.memref_slice %arg4[%mul3A_2] : memref<1024xf32, #tpu.memory_space<hbm>> -> memref<32xf32, #tpu.memory_space<hbm>>
      tpu.wait_dma2 semaphore(%run_scoped3A : memref<!tpu.dma_semaphore, #tpu.memory_space<semaphore_mem>>) src(%dma_wait3A_202 : memref<32xf32, #tpu.memory_space<hbm>>) dst(%arg10 : memref<32xf32, #tpu.memory_space<vmem>>)
      tpu.yield
    }) : () -> ()
    "tpu.region"() ({
      %run_scoped3A = tpu.sem_alloc : memref<!tpu.dma_semaphore, #tpu.memory_space<semaphore_mem>>
      %dma_start3A_199 = tpu.memref_slice %arg5[%mul3A_2] : memref<1024xf32, #tpu.memory_space<hbm>> -> memref<32xf32, #tpu.memory_space<hbm>>
      %dma_start3A_200 = tpu.memref_slice %arg5[%mul3A_2] : memref<1024xf32, #tpu.memory_space<hbm>> -> memref<32xf32, #tpu.memory_space<hbm>>
      tpu.enqueue_dma source(%dma_start3A_200 : memref<32xf32, #tpu.memory_space<hbm>>) target(%arg11 : memref<32xf32, #tpu.memory_space<vmem>>) target_semaphore(%run_scoped3A : memref<!tpu.dma_semaphore, #tpu.memory_space<semaphore_mem>>)
      %dma_wait3A_201 = tpu.memref_slice %arg5[%mul3A_2] : memref<1024xf32, #tpu.memory_space<hbm>> -> memref<32xf32, #tpu.memory_space<hbm>>
      %dma_wait3A_202 = tpu.memref_slice %arg5[%mul3A_2] : memref<1024xf32, #tpu.memory_space<hbm>> -> memref<32xf32, #tpu.memory_space<hbm>>
      tpu.wait_dma2 semaphore(%run_scoped3A : memref<!tpu.dma_semaphore, #tpu.memory_space<semaphore_mem>>) src(%dma_wait3A_202 : memref<32xf32, #tpu.memory_space<hbm>>) dst(%arg11 : memref<32xf32, #tpu.memory_space<vmem>>)
      tpu.yield
    }) : () -> ()
    %add3A_3 = arith.constant 0 : i32
    %add3A_4 = arith.addi %mul3A_2, %add3A_3 : i32
    %iota3A = tpu.iota {dimensions = array<i32: 0>} : vector<16xi32>
    %add3A_5 = vector.broadcast %add3A_4 : i32 to vector<16xi32>
    %add3A_6 = arith.addi %add3A_5, %iota3A : vector<16xi32>
    %get3A = arith.constant 0 : index
    %get3A_7 = tpu.vector_load %arg7[%get3A] {strides = array<i32>} : memref<32xi32, #tpu.memory_space<vmem>>, vector<16xi32>,
    %get3A_8 = vector.shape_cast %get3A_7 : vector<16xi32> to vector<16xi32>
    %shift_right_arithmetic3A = arith.constant 3 : i32
    %shift_right_arithmetic3A_9 = vector.broadcast %shift_right_arithmetic3A : i32 to vector<16xi32>
    %shift_right_arithmetic3A_10 = arith.shrsi %get3A_8, %shift_right_arithmetic3A_9 : vector<16xi32>
    %mul3A_11 = arith.constant 8192 : i32
    %mul3A_12 = vector.broadcast %mul3A_11 : i32 to vector<16xi32>
    %mul3A_13 = arith.muli %shift_right_arithmetic3A_10, %mul3A_12 : vector<16xi32>
    %shift_right_arithmetic3A_14 = arith.constant 7 : i32
    %shift_right_arithmetic3A_15 = vector.broadcast %shift_right_arithmetic3A_14 : i32 to vector<16xi32>
    %shift_right_arithmetic3A_16 = arith.shrsi %add3A_6, %shift_right_arithmetic3A_15 : vector<16xi32>
    %mul3A_17 = arith.constant 1024 : i32
    %mul3A_18 = vector.broadcast %mul3A_17 : i32 to vector<16xi32>
    %mul3A_19 = arith.muli %shift_right_arithmetic3A_16, %mul3A_18 : vector<16xi32>
    %add3A_20 = arith.addi %mul3A_13, %mul3A_19 : vector<16xi32>
    %and3A = arith.constant 7 : i32
    %and3A_21 = vector.broadcast %and3A : i32 to vector<16xi32>
    %and3A_22 = arith.andi %get3A_8, %and3A_21 : vector<16xi32>
    %mul3A_23 = arith.constant 128 : i32
    %mul3A_24 = vector.broadcast %mul3A_23 : i32 to vector<16xi32>
    %mul3A_25 = arith.muli %and3A_22, %mul3A_24 : vector<16xi32>
    %add3A_26 = arith.addi %add3A_20, %mul3A_25 : vector<16xi32>
    %and3A_27 = arith.constant 127 : i32
    %and3A_28 = vector.broadcast %and3A_27 : i32 to vector<16xi32>
    %and3A_29 = arith.andi %add3A_6, %and3A_28 : vector<16xi32>
    %add3A_30 = arith.addi %add3A_26, %and3A_29 : vector<16xi32>
    %swap3A = arith.constant 0 : index
    %swap3A_31 = tpu.vector_load %arg8[%swap3A] {strides = array<i32>} : memref<32xi32, #tpu.memory_space<vmem>>, vector<16xi32>,
    %swap3A_32 = vector.shape_cast %swap3A_31 : vector<16xi32> to vector<16xi32>
    %swap3A_33 = vector.shape_cast %add3A_30 : vector<16xi32> to vector<16xi32>
    tpu.vector_store %arg8[%swap3A], %swap3A_33 {strides = array<i32>} : memref<32xi32, #tpu.memory_space<vmem>>, vector<16xi32>,
    %add3A_34 = arith.constant 16 : i32
    %add3A_35 = arith.addi %mul3A_2, %add3A_34 : i32
    %iota3A_36 = tpu.iota {dimensions = array<i32: 0>} : vector<16xi32>
    %add3A_37 = vector.broadcast %add3A_35 : i32 to vector<16xi32>
    %add3A_38 = arith.addi %add3A_37, %iota3A_36 : vector<16xi32>
    %get3A_39 = arith.constant 16 : index
    %get3A_40 = tpu.vector_load %arg7[%get3A_39] {strides = array<i32>} : memref<32xi32, #tpu.memory_space<vmem>>, vector<16xi32>,
    %get3A_41 = vector.shape_cast %get3A_40 : vector<16xi32> to vector<16xi32>
    %shift_right_arithmetic3A_42 = arith.constant 3 : i32
    %shift_right_arithmetic3A_43 = vector.broadcast %shift_right_arithmetic3A_42 : i32 to vector<16xi32>
    %shift_right_arithmetic3A_44 = arith.shrsi %get3A_41, %shift_right_arithmetic3A_43 : vector<16xi32>
    %mul3A_45 = arith.constant 8192 : i32
    %mul3A_46 = vector.broadcast %mul3A_45 : i32 to vector<16xi32>
    %mul3A_47 = arith.muli %shift_right_arithmetic3A_44, %mul3A_46 : vector<16xi32>
    %shift_right_arithmetic3A_48 = arith.constant 7 : i32
    %shift_right_arithmetic3A_49 = vector.broadcast %shift_right_arithmetic3A_48 : i32 to vector<16xi32>
    %shift_right_arithmetic3A_50 = arith.shrsi %add3A_38, %shift_right_arithmetic3A_49 : vector<16xi32>
    %mul3A_51 = arith.constant 1024 : i32
    %mul3A_52 = vector.broadcast %mul3A_51 : i32 to vector<16xi32>
    %mul3A_53 = arith.muli %shift_right_arithmetic3A_50, %mul3A_52 : vector<16xi32>
    %add3A_54 = arith.addi %mul3A_47, %mul3A_53 : vector<16xi32>
    %and3A_55 = arith.constant 7 : i32
    %and3A_56 = vector.broadcast %and3A_55 : i32 to vector<16xi32>
    %and3A_57 = arith.andi %get3A_41, %and3A_56 : vector<16xi32>
    %mul3A_58 = arith.constant 128 : i32
    %mul3A_59 = vector.broadcast %mul3A_58 : i32 to vector<16xi32>
    %mul3A_60 = arith.muli %and3A_57, %mul3A_59 : vector<16xi32>
    %add3A_61 = arith.addi %add3A_54, %mul3A_60 : vector<16xi32>
    %and3A_62 = arith.constant 127 : i32
    %and3A_63 = vector.broadcast %and3A_62 : i32 to vector<16xi32>
    %and3A_64 = arith.andi %add3A_38, %and3A_63 : vector<16xi32>
    %add3A_65 = arith.addi %add3A_61, %and3A_64 : vector<16xi32>
    %swap3A_66 = arith.constant 16 : index
    %swap3A_67 = tpu.vector_load %arg8[%swap3A_66] {strides = array<i32>} : memref<32xi32, #tpu.memory_space<vmem>>, vector<16xi32>,
    %swap3A_68 = vector.shape_cast %swap3A_67 : vector<16xi32> to vector<16xi32>
    %swap3A_69 = vector.shape_cast %add3A_65 : vector<16xi32> to vector<16xi32>
    tpu.vector_store %arg8[%swap3A_66], %swap3A_69 {strides = array<i32>} : memref<32xi32, #tpu.memory_space<vmem>>, vector<16xi32>,
    %dma_start3A = arith.constant 0 : i32
    %dma_start3A_70 = tpu.memref_slice %arg2[%dma_start3A] : memref<102400000xf32, #tpu.memory_space<hbm>> -> memref<102400000xf32, #tpu.memory_space<hbm>>
    tpu.enqueue_indirect_dma source(%dma_start3A_70 : memref<102400000xf32, #tpu.memory_space<hbm>>) target(%arg9 : memref<32xf32, #tpu.memory_space<vmem>>) offsets(%arg8 : memref<32xi32, #tpu.memory_space<vmem>>) semaphore(%arg13 : memref<!tpu.dma_semaphore, #tpu.memory_space<semaphore_mem>>)
    %dma_wait3A = arith.constant 0 : i32
    %dma_wait3A_71 = tpu.memref_slice %arg2[%dma_wait3A] : memref<102400000xf32, #tpu.memory_space<hbm>> -> memref<102400000xf32, #tpu.memory_space<hbm>>
    tpu.wait_indirect_dma semaphore(%arg13 : memref<!tpu.dma_semaphore, #tpu.memory_space<semaphore_mem>>) src(%dma_wait3A_71 : memref<102400000xf32, #tpu.memory_space<hbm>>) dst(%arg9 : memref<32xf32, #tpu.memory_space<vmem>>)
    %get3A_72 = arith.constant 0 : index
    %get3A_73 = tpu.vector_load %arg9[%get3A_72] {strides = array<i32>} : memref<32xf32, #tpu.memory_space<vmem>>, vector<16xf32>,
    %get3A_74 = vector.shape_cast %get3A_73 : vector<16xf32> to vector<16xf32>
    %mul3A_75 = arith.mulf %get3A_74, %get3A_74 : vector<16xf32>
    %sub3A = arith.constant 1.000000e+00 : f32
    %sub3A_76 = vector.broadcast %sub3A : f32 to vector<16xf32>
    %sub3A_77 = arith.subf %sub3A_76, %mul3A_75 : vector<16xf32>
    %max3A = arith.constant 0.000000e+00 : f32
    %max3A_78 = vector.broadcast %max3A : f32 to vector<16xf32>
    %max3A_79 = arith.maximumf %sub3A_77, %max3A_78 : vector<16xf32>
    %max3A_80 = arith.constant 9.99999996E-13 : f32
    %max3A_81 = vector.broadcast %max3A_80 : f32 to vector<16xf32>
    %max3A_82 = arith.maximumf %max3A_79, %max3A_81 : vector<16xf32>
    %bitcast_convert_type3A = tpu.bitcast %max3A_82 : vector<16xf32> -> vector<16xi32>
    %shift_right_arithmetic3A_83 = arith.constant 1 : i32
    %shift_right_arithmetic3A_84 = vector.broadcast %shift_right_arithmetic3A_83 : i32 to vector<16xi32>
    %shift_right_arithmetic3A_85 = arith.shrsi %bitcast_convert_type3A, %shift_right_arithmetic3A_84 : vector<16xi32>
    %sub3A_86 = arith.constant 1597463007 : i32
    %sub3A_87 = vector.broadcast %sub3A_86 : i32 to vector<16xi32>
    %sub3A_88 = arith.subi %sub3A_87, %shift_right_arithmetic3A_85 : vector<16xi32>
    %bitcast_convert_type3A_89 = tpu.bitcast %sub3A_88 : vector<16xi32> -> vector<16xf32>
    %mul3A_90 = arith.constant 5.000000e-01 : f32
    %mul3A_91 = vector.broadcast %mul3A_90 : f32 to vector<16xf32>
    %mul3A_92 = arith.mulf %mul3A_91, %max3A_82 : vector<16xf32>
    %mul3A_93 = arith.mulf %mul3A_92, %bitcast_convert_type3A_89 : vector<16xf32>
    %mul3A_94 = arith.mulf %mul3A_93, %bitcast_convert_type3A_89 : vector<16xf32>
    %sub3A_95 = arith.constant 1.500000e+00 : f32
    %sub3A_96 = vector.broadcast %sub3A_95 : f32 to vector<16xf32>
    %sub3A_97 = arith.subf %sub3A_96, %mul3A_94 : vector<16xf32>
    %mul3A_98 = arith.mulf %bitcast_convert_type3A_89, %sub3A_97 : vector<16xf32>
    %mul3A_99 = arith.constant 5.000000e-01 : f32
    %mul3A_100 = vector.broadcast %mul3A_99 : f32 to vector<16xf32>
    %mul3A_101 = arith.mulf %mul3A_100, %max3A_82 : vector<16xf32>
    %mul3A_102 = arith.mulf %mul3A_101, %mul3A_98 : vector<16xf32>
    %mul3A_103 = arith.mulf %mul3A_102, %mul3A_98 : vector<16xf32>
    %sub3A_104 = arith.constant 1.500000e+00 : f32
    %sub3A_105 = vector.broadcast %sub3A_104 : f32 to vector<16xf32>
    %sub3A_106 = arith.subf %sub3A_105, %mul3A_103 : vector<16xf32>
    %mul3A_107 = arith.mulf %mul3A_98, %sub3A_106 : vector<16xf32>
    %mul3A_108 = arith.constant 5.000000e-01 : f32
    %mul3A_109 = vector.broadcast %mul3A_108 : f32 to vector<16xf32>
    %mul3A_110 = arith.mulf %mul3A_109, %max3A_82 : vector<16xf32>
    %mul3A_111 = arith.mulf %mul3A_110, %mul3A_107 : vector<16xf32>
    %mul3A_112 = arith.mulf %mul3A_111, %mul3A_107 : vector<16xf32>
    %sub3A_113 = arith.constant 1.500000e+00 : f32
    %sub3A_114 = vector.broadcast %sub3A_113 : f32 to vector<16xf32>
    %sub3A_115 = arith.subf %sub3A_114, %mul3A_112 : vector<16xf32>
    %mul3A_116 = arith.mulf %mul3A_107, %sub3A_115 : vector<16xf32>
    %mul3A_117 = arith.mulf %max3A_79, %mul3A_116 : vector<16xf32>
    %get3A_118 = arith.constant 0 : index
    %get3A_119 = tpu.vector_load %arg10[%get3A_118] {strides = array<i32>} : memref<32xf32, #tpu.memory_space<vmem>>, vector<16xf32>,
    %get3A_120 = vector.shape_cast %get3A_119 : vector<16xf32> to vector<16xf32>
    %mul3A_121 = arith.mulf %get3A_74, %get3A_120 : vector<16xf32>
    %get3A_122 = arith.constant 0 : index
    %get3A_123 = tpu.vector_load %arg11[%get3A_122] {strides = array<i32>} : memref<32xf32, #tpu.memory_space<vmem>>, vector<16xf32>,
    %get3A_124 = vector.shape_cast %get3A_123 : vector<16xf32> to vector<16xf32>
    %mul3A_125 = arith.mulf %mul3A_117, %get3A_124 : vector<16xf32>
    %sub3A_126 = arith.subf %mul3A_121, %mul3A_125 : vector<16xf32>
    %mul3A_127 = arith.constant 6.400000e+01 : f32
    %mul3A_128 = vector.broadcast %mul3A_127 : f32 to vector<16xf32>
    %mul3A_129 = arith.mulf %mul3A_128, %sub3A_126 : vector<16xf32>
    %swap3A_130 = arith.constant 0 : index
    %swap3A_131 = tpu.vector_load %arg12[%swap3A_130] {strides = array<i32>} : memref<32xf32, #tpu.memory_space<vmem>>, vector<16xf32>,
    %swap3A_132 = vector.shape_cast %swap3A_131 : vector<16xf32> to vector<16xf32>
    %swap3A_133 = vector.shape_cast %mul3A_129 : vector<16xf32> to vector<16xf32>
    tpu.vector_store %arg12[%swap3A_130], %swap3A_133 {strides = array<i32>} : memref<32xf32, #tpu.memory_space<vmem>>, vector<16xf32>,
    %get3A_134 = arith.constant 16 : index
    %get3A_135 = tpu.vector_load %arg9[%get3A_134] {strides = array<i32>} : memref<32xf32, #tpu.memory_space<vmem>>, vector<16xf32>,
    %get3A_136 = vector.shape_cast %get3A_135 : vector<16xf32> to vector<16xf32>
    %mul3A_137 = arith.mulf %get3A_136, %get3A_136 : vector<16xf32>
    %sub3A_138 = arith.constant 1.000000e+00 : f32
    %sub3A_139 = vector.broadcast %sub3A_138 : f32 to vector<16xf32>
    %sub3A_140 = arith.subf %sub3A_139, %mul3A_137 : vector<16xf32>
    %max3A_141 = arith.constant 0.000000e+00 : f32
    %max3A_142 = vector.broadcast %max3A_141 : f32 to vector<16xf32>
    %max3A_143 = arith.maximumf %sub3A_140, %max3A_142 : vector<16xf32>
    %max3A_144 = arith.constant 9.99999996E-13 : f32
    %max3A_145 = vector.broadcast %max3A_144 : f32 to vector<16xf32>
    %max3A_146 = arith.maximumf %max3A_143, %max3A_145 : vector<16xf32>
    %bitcast_convert_type3A_147 = tpu.bitcast %max3A_146 : vector<16xf32> -> vector<16xi32>
    %shift_right_arithmetic3A_148 = arith.constant 1 : i32
    %shift_right_arithmetic3A_149 = vector.broadcast %shift_right_arithmetic3A_148 : i32 to vector<16xi32>
    %shift_right_arithmetic3A_150 = arith.shrsi %bitcast_convert_type3A_147, %shift_right_arithmetic3A_149 : vector<16xi32>
    %sub3A_151 = arith.constant 1597463007 : i32
    %sub3A_152 = vector.broadcast %sub3A_151 : i32 to vector<16xi32>
    %sub3A_153 = arith.subi %sub3A_152, %shift_right_arithmetic3A_150 : vector<16xi32>
    %bitcast_convert_type3A_154 = tpu.bitcast %sub3A_153 : vector<16xi32> -> vector<16xf32>
    %mul3A_155 = arith.constant 5.000000e-01 : f32
    %mul3A_156 = vector.broadcast %mul3A_155 : f32 to vector<16xf32>
    %mul3A_157 = arith.mulf %mul3A_156, %max3A_146 : vector<16xf32>
    %mul3A_158 = arith.mulf %mul3A_157, %bitcast_convert_type3A_154 : vector<16xf32>
    %mul3A_159 = arith.mulf %mul3A_158, %bitcast_convert_type3A_154 : vector<16xf32>
    %sub3A_160 = arith.constant 1.500000e+00 : f32
    %sub3A_161 = vector.broadcast %sub3A_160 : f32 to vector<16xf32>
    %sub3A_162 = arith.subf %sub3A_161, %mul3A_159 : vector<16xf32>
    %mul3A_163 = arith.mulf %bitcast_convert_type3A_154, %sub3A_162 : vector<16xf32>
    %mul3A_164 = arith.constant 5.000000e-01 : f32
    %mul3A_165 = vector.broadcast %mul3A_164 : f32 to vector<16xf32>
    %mul3A_166 = arith.mulf %mul3A_165, %max3A_146 : vector<16xf32>
    %mul3A_167 = arith.mulf %mul3A_166, %mul3A_163 : vector<16xf32>
    %mul3A_168 = arith.mulf %mul3A_167, %mul3A_163 : vector<16xf32>
    %sub3A_169 = arith.constant 1.500000e+00 : f32
    %sub3A_170 = vector.broadcast %sub3A_169 : f32 to vector<16xf32>
    %sub3A_171 = arith.subf %sub3A_170, %mul3A_168 : vector<16xf32>
    %mul3A_172 = arith.mulf %mul3A_163, %sub3A_171 : vector<16xf32>
    %mul3A_173 = arith.constant 5.000000e-01 : f32
    %mul3A_174 = vector.broadcast %mul3A_173 : f32 to vector<16xf32>
    %mul3A_175 = arith.mulf %mul3A_174, %max3A_146 : vector<16xf32>
    %mul3A_176 = arith.mulf %mul3A_175, %mul3A_172 : vector<16xf32>
    %mul3A_177 = arith.mulf %mul3A_176, %mul3A_172 : vector<16xf32>
    %sub3A_178 = arith.constant 1.500000e+00 : f32
    %sub3A_179 = vector.broadcast %sub3A_178 : f32 to vector<16xf32>
    %sub3A_180 = arith.subf %sub3A_179, %mul3A_177 : vector<16xf32>
    %mul3A_181 = arith.mulf %mul3A_172, %sub3A_180 : vector<16xf32>
    %mul3A_182 = arith.mulf %max3A_143, %mul3A_181 : vector<16xf32>
    %get3A_183 = arith.constant 16 : index
    %get3A_184 = tpu.vector_load %arg10[%get3A_183] {strides = array<i32>} : memref<32xf32, #tpu.memory_space<vmem>>, vector<16xf32>,
    %get3A_185 = vector.shape_cast %get3A_184 : vector<16xf32> to vector<16xf32>
    %mul3A_186 = arith.mulf %get3A_136, %get3A_185 : vector<16xf32>
    %get3A_187 = arith.constant 16 : index
    %get3A_188 = tpu.vector_load %arg11[%get3A_187] {strides = array<i32>} : memref<32xf32, #tpu.memory_space<vmem>>, vector<16xf32>,
    %get3A_189 = vector.shape_cast %get3A_188 : vector<16xf32> to vector<16xf32>
    %mul3A_190 = arith.mulf %mul3A_182, %get3A_189 : vector<16xf32>
    %sub3A_191 = arith.subf %mul3A_186, %mul3A_190 : vector<16xf32>
    %mul3A_192 = arith.constant 6.400000e+01 : f32
    %mul3A_193 = vector.broadcast %mul3A_192 : f32 to vector<16xf32>
    %mul3A_194 = arith.mulf %mul3A_193, %sub3A_191 : vector<16xf32>
    %swap3A_195 = arith.constant 16 : index
    %swap3A_196 = tpu.vector_load %arg12[%swap3A_195] {strides = array<i32>} : memref<32xf32, #tpu.memory_space<vmem>>, vector<16xf32>,
    %swap3A_197 = vector.shape_cast %swap3A_196 : vector<16xf32> to vector<16xf32>
    %swap3A_198 = vector.shape_cast %mul3A_194 : vector<16xf32> to vector<16xf32>
    tpu.vector_store %arg12[%swap3A_195], %swap3A_198 {strides = array<i32>} : memref<32xf32, #tpu.memory_space<vmem>>, vector<16xf32>,
    "tpu.region"() ({
      %run_scoped3A = tpu.sem_alloc : memref<!tpu.dma_semaphore, #tpu.memory_space<semaphore_mem>>
      %dma_start3A_199 = tpu.memref_slice %arg6[%mul3A_2] : memref<1024xf32, #tpu.memory_space<hbm>> -> memref<32xf32, #tpu.memory_space<hbm>>
      %dma_start3A_200 = tpu.memref_slice %arg6[%mul3A_2] : memref<1024xf32, #tpu.memory_space<hbm>> -> memref<32xf32, #tpu.memory_space<hbm>>
      tpu.enqueue_dma source(%arg12 : memref<32xf32, #tpu.memory_space<vmem>>) target(%dma_start3A_200 : memref<32xf32, #tpu.memory_space<hbm>>) target_semaphore(%run_scoped3A : memref<!tpu.dma_semaphore, #tpu.memory_space<semaphore_mem>>)
      %dma_wait3A_201 = tpu.memref_slice %arg6[%mul3A_2] : memref<1024xf32, #tpu.memory_space<hbm>> -> memref<32xf32, #tpu.memory_space<hbm>>
      %dma_wait3A_202 = tpu.memref_slice %arg6[%mul3A_2] : memref<1024xf32, #tpu.memory_space<hbm>> -> memref<32xf32, #tpu.memory_space<hbm>>
      tpu.wait_dma2 semaphore(%run_scoped3A : memref<!tpu.dma_semaphore, #tpu.memory_space<semaphore_mem>>) src(%arg12 : memref<32xf32, #tpu.memory_space<vmem>>) dst(%dma_wait3A_202 : memref<32xf32, #tpu.memory_space<hbm>>)
      tpu.yield
    }) : () -> ()
    return
  }
}

module attributes {stable_mosaic.version = 14 : i64} {
  func.func @body(%arg0: i32, %arg1: memref<1x1024xi32, #tpu.memory_space<vmem>>, %arg2: memref<1x1024xf32, #tpu.memory_space<vmem>>, %arg3: memref<2048x1024xf32, #tpu.memory_space<vmem>>, %arg4: memref<2048x1024xf32, #tpu.memory_space<vmem>>) attributes {dimension_semantics = [#tpu.dimension_semantics<arbitrary>], iteration_bounds = array<i64: 49>, scalar_prefetch = 0 : i64, scratch_operands = 0 : i64, tpu.core_type = #tpu.core_type<tc>, window_params = [{pipeline_mode = #tpu.pipeline_mode<synchronous>, transform_indices = @transform_0, window_bounds = array<i64: 1, 1024>}, {pipeline_mode = #tpu.pipeline_mode<synchronous>, transform_indices = @transform_1, window_bounds = array<i64: 1, 1024>}, {transform_indices = @transform_2, window_bounds = array<i64: 2048, 1024>}, {transform_indices = @transform_3, window_bounds = array<i64: 2048, 1024>}]} {
    %mul3A = arith.constant 2048 : i32
    %mul3A_0 = arith.muli %arg0, %mul3A : i32
    %iota3A = tpu.iota {dimensions = array<i32: 0>} : vector<2048x1024xi32>
    %add3A = vector.broadcast %mul3A_0 : i32 to vector<2048x1024xi32>
    %add3A_1 = arith.addi %add3A, %iota3A : vector<2048x1024xi32>
    %get3A = arith.constant 0 : index
    %get3A_2 = arith.constant 0 : index
    %get3A_3 = vector.load %arg1[%get3A, %get3A_2] : memref<1x1024xi32, #tpu.memory_space<vmem>>, vector<1x1024xi32>
    %eq3A = vector.broadcast %get3A_3 : vector<1x1024xi32> to vector<2048x1024xi32>
    %eq3A_4 = arith.cmpi eq, %add3A_1, %eq3A : vector<2048x1024xi32>
    %get3A_5 = arith.constant 0 : index
    %get3A_6 = arith.constant 0 : index
    %get3A_7 = vector.load %arg2[%get3A_5, %get3A_6] : memref<1x1024xf32, #tpu.memory_space<vmem>>, vector<1x1024xf32>
    %get3A_8 = arith.constant 0 : index
    %get3A_9 = arith.constant 0 : index
    %get3A_10 = vector.load %arg3[%get3A_8, %get3A_9] : memref<2048x1024xf32, #tpu.memory_space<vmem>>, vector<2048x1024xf32>
    %mul3A_11 = arith.constant 6.400000e+01 : f32
    %mul3A_12 = vector.broadcast %mul3A_11 : f32 to vector<2048x1024xf32>
    %mul3A_13 = arith.mulf %get3A_10, %mul3A_12 : vector<2048x1024xf32>
    %broadcast_in_dim3A = vector.shape_cast %get3A_7 : vector<1x1024xf32> to vector<1x1024xf32>
    %broadcast_in_dim3A_14 = vector.broadcast %broadcast_in_dim3A : vector<1x1024xf32> to vector<2048x1024xf32>
    %select_n3A = arith.select %eq3A_4, %broadcast_in_dim3A_14, %mul3A_13 : vector<2048x1024xi1>, vector<2048x1024xf32>
    %swap3A = arith.constant 0 : index
    %swap3A_15 = arith.constant 0 : index
    %swap3A_16 = vector.load %arg4[%swap3A, %swap3A_15] : memref<2048x1024xf32, #tpu.memory_space<vmem>>, vector<2048x1024xf32>
    tpu.vector_store %arg4[%swap3A, %swap3A_15], %select_n3A {strides = array<i32>} : memref<2048x1024xf32, #tpu.memory_space<vmem>>, vector<2048x1024xf32>,
    return
  }
  func.func @transform_0(%arg0: i32) -> (i32, i32) {
    %c0_i32 = arith.constant 0 : i32
    %c0_i32_0 = arith.constant 0 : i32
    %c0_i32_1 = arith.constant 0 : i32
    return %c0_i32, %c0_i32_0 : i32, i32
  }
  func.func @transform_1(%arg0: i32) -> (i32, i32) {
    %c0_i32 = arith.constant 0 : i32
    %c0_i32_0 = arith.constant 0 : i32
    %c0_i32_1 = arith.constant 0 : i32
    return %c0_i32, %c0_i32_0 : i32, i32
  }
  func.func @transform_2(%arg0: i32) -> (i32, i32) {
    %c0_i32 = arith.constant 0 : i32
    %c0_i32_0 = arith.constant 0 : i32
    return %arg0, %c0_i32 : i32, i32
  }
  func.func @transform_3(%arg0: i32) -> (i32, i32) {
    %c0_i32 = arith.constant 0 : i32
    %c0_i32_0 = arith.constant 0 : i32
    return %arg0, %c0_i32 : i32, i32
  }
}

</mosaic_0001>

<sc_bundles>
// kernel: kernel.4.cloned.1.call-start
scs
__scs_entry_jumppad:
0x0: {  	(pc) =	sbr.rel $0x88, $3  }
0x1: {  	(tag) =	ssettag $0x0;
	lr =	simm.s32 $0x1  }
0x2: {  	[smem:$0x3F9F] =	sst lr;
	_ =	strace $0xD0000000  }
0x3: {  	_ = 	snop  }
0x4: {  	_ = 	snop  }
0x5: {  	_ = 	snop  }
0x6: {  	_ = 	snop  }
0x7: {  	_ = 	snop  }
__scs_overlays_trampoline_lowered:
0x8: {  	[smem:$0x3FAE] =	sst s0  }
0x9: {  	[smem:$0x3FAF] =	sst s1  }
0xa: {  	[smem:$0x3FB0] =	sst s2  }
0xb: {  	[smem:$0x3FB1] =	sst s3  }
0xc: {  	[smem:$0x3FB2] =	sst s4  }
0xd: {  	[smem:$0x3FB3] =	sst s5  }
0xe: {  	[smem:$0x3FB4] =	sst s6  }
0xf: {  	[smem:$0x3FB5] =	sst s7  }
0x10: {  	[smem:$0x3FB6] =	sst s8  }
0x11: {  	[smem:$0x3FB7] =	sst s9;
	s0 =	simm.s32 @!p0 $0x0  }
0x12: {  	s1 =	sld [smem:$0x3F9D];
	s0 =	simm.s32 @p0 $0x1  }
0x13: {  	[smem:$0x3FB8] =	sst s0;
	s0 =	simm.s32 @!p1 $0x0  }
0x14: {  	s2 =	sld [smem:$0x3F9C];
	s0 =	simm.s32 @p1 $0x1  }
0x15: {  	[smem:$0x3FB9] =	sst s0;
	s0 =	simm.s32 @!p2 $0x0  }
0x16: {  	s3 =	sld [smem:$0x3FDB];
	s0 =	simm.s32 @p2 $0x1  }
0x17: {  	s4 =	simm.s32 $0x1BF5;
	[smem:$0x3FBB] =	sst s0  }
0x18: {  	s0 =	sld [smem:$0x3F9E];
	_ =	swait.ge [sflag:s4], $0x0  }
0x19: {  	s7 =	sld [smem:$0x3F9F]  }
0x1a: {  	s8 =	sadd.s32 $0xFFFFE003, lr  }
0x1b: {  	s9 =	sadd.s32 $0xFFFFFEF7, lr;
	s5 =	simm.s32 $0xFFFFFFFF;
	p2 =	slt.u32 s8, $0xFFFFF086  }
0x1c: {  	p1 =	slt.u32 s9, $0xF7A;
	s5 =	simm.s32 @!p2 $0x0  }
0x1d: {  	s5 =	simm.s32 @p1 $0x1;
	p0 =	seq.s32 s7, s2  }
0x1e: {  	s7 =	smul.u32 @!p0 $0xF7A, s2;
	p2 =	seq.s32 @!p0 s5, $0x0  }
0x1f: {  	s9 =	smul.u32 $0xF7A, s1;
	s8 =	simm.s32 @!p0 $0x1BF5;
	p2 =	por !p2, p0  }
0x20: {  	[sflag:s8] =	ssyncset.s32 @!p0 $0xFFFFF086;
	s6 =	sadd.s32 @!p0 s3, s7;
	s7 =	simm.s32 @!p0 $0x108  }
0x21: {  	s3 =	sadd.s32 s3, s9;
	s6 =	sadd.s32 @!p0 $0x88, s6;
	s7 =	simm.s32 @p2 $0x1082  }
0x22: {  	[simem:s7], [sflag:s8] =	dma.local @!p0 [hbm:s6], $0xF7A  }
0x23: {  	s9 =	sor.u32 $0xD0000000, s2;
	s6 =	simm.s32 $0x108;
	_ =	swait.ge @!p0 [sflag:s8], $0x0  }
0x24: {  	s3 =	sadd.s32 $0x88, s3;
	s6 =	simm.s32 @!p1 $0x1082;
	[sflag:s4] =	ssyncset.s32 $0xFFFFF086  }
0x25: {  	[simem:s6], [sflag:s4] =	dma.local [hbm:s3], $0xF7A  }
0x26: {  	[smem:$0x3F9F] =	sst s1;
	(tag) =	ssettag s2;
	_ =	strace s9  }
0x27: {  	s1 =	sld [smem:$0x3FAF]  }
0x28: {  	s2 =	sld [smem:$0x3FB0]  }
0x29: {  	s4 =	sld [smem:$0x3FB2]  }
0x2a: {  	p0 =	seq.s32 s5, $0x0;
	s5 =	sld [smem:$0x3FB3]  }
0x2b: {  	s6 =	sld [smem:$0x3FB4]  }
0x2c: {  	s7 =	sld [smem:$0x3FB5]  }
0x2d: {  	s3 =	simm.s32 $0x108;
	s8 =	sld [smem:$0x3FB6]  }
0x2e: {  	s3 =	simm.s32 @!p0 $0x1082;
	s9 =	sld [smem:$0x3FB7]  }
0x2f: {  	lr =	sadd.s32 s0, s3;
	s0 =	sld [smem:$0x3FAE]  }
0x30: {  	s3 =	sld [smem:$0x3FB1]  }
0x31: {  	[smem:$0x3FBA] =	sst s10  }
0x32: {  	s10 =	sld [smem:$0x3FB8];
	_ =	sdelay $0x3  }
0x33: {  	p0 =	seq.s32 s10, $0x1;
	s10 =	sld [smem:$0x3FBA];
	_ =	sdelay $0x3  }
0x34: {  	[smem:$0x3FBA] =	sst s10  }
0x35: {  	s10 =	sld [smem:$0x3FB9];
	_ =	sdelay $0x3  }
0x36: {  	p1 =	seq.s32 s10, $0x1;
	s10 =	sld [smem:$0x3FBA];
	_ =	sdelay $0x3  }
0x37: {  	[smem:$0x3FBA] =	sst s10  }
0x38: {  	s10 =	sld [smem:$0x3FBB]  }
0x39: {  	_ = 	snop;
	(pc) =	sbr.ind lr, $3  }
0x3a: {  	_ = 	snop  }
0x3b: {  	_ = 	snop  }
0x3c: {  	p2 =	seq.s32 s10, $0x1;
	s10 =	sld [smem:$0x3FBA]  }
0x3d: {  	_ =	shalt  }
0x3e: {  	_ =	shalt  }
0x3f: {  	_ =	shalt  }
0x40: {  	_ =	shalt  }
0x41: {  	_ =	shalt  }
0x42: {  	_ =	shalt  }
0x43: {  	_ =	shalt  }
0x44: {  	_ =	shalt  }
0x45: {  	_ =	shalt  }
0x46: {  	_ =	shalt  }
0x47: {  	_ =	shalt  }
0x48: {  	_ =	shalt  }
0x49: {  	_ =	shalt  }
0x4a: {  	_ =	shalt  }
0x4b: {  	_ =	shalt  }
0x4c: {  	_ =	shalt  }
0x4d: {  	_ =	shalt  }
0x4e: {  	_ =	shalt  }
0x4f: {  	_ =	shalt  }
0x50: {  	_ =	shalt  }
0x51: {  	_ =	shalt  }
0x52: {  	_ =	shalt  }
0x53: {  	_ =	shalt  }
0x54: {  	_ =	shalt  }
0x55: {  	_ =	shalt  }
0x56: {  	_ =	shalt  }
0x57: {  	_ =	shalt  }
0x58: {  	_ =	shalt  }
0x59: {  	_ =	shalt  }
0x5a: {  	_ =	shalt  }
0x5b: {  	_ =	shalt  }
0x5c: {  	_ =	shalt  }
0x5d: {  	_ =	shalt  }
0x5e: {  	_ =	shalt  }
0x5f: {  	_ =	shalt  }
0x60: {  	_ =	shalt  }
0x61: {  	_ =	shalt  }
0x62: {  	_ =	shalt  }
0x63: {  	_ =	shalt  }
0x64: {  	_ =	shalt  }
0x65: {  	_ =	shalt  }
0x66: {  	_ =	shalt  }
0x67: {  	_ =	shalt  }
0x68: {  	_ =	shalt  }
0x69: {  	_ =	shalt  }
0x6a: {  	_ =	shalt  }
0x6b: {  	_ =	shalt  }
0x6c: {  	_ =	shalt  }
0x6d: {  	_ =	shalt  }
0x6e: {  	_ =	shalt  }
0x6f: {  	_ =	shalt  }
0x70: {  	_ =	shalt  }
0x71: {  	_ =	shalt  }
0x72: {  	_ =	shalt  }
0x73: {  	_ =	shalt  }
0x74: {  	_ =	shalt  }
0x75: {  	_ =	shalt  }
0x76: {  	_ =	shalt  }
0x77: {  	_ =	shalt  }
0x78: {  	_ =	shalt  }
0x79: {  	_ =	shalt  }
0x7a: {  	_ =	shalt  }
0x7b: {  	_ =	shalt  }
0x7c: {  	_ =	shalt  }
0x7d: {  	_ =	shalt  }
0x7e: {  	_ =	shalt  }
0x7f: {  	_ =	shalt  }
0x80: {  	_ =	shalt  }
0x81: {  	_ =	shalt  }
0x82: {  	_ =	shalt  }
0x83: {  	_ =	shalt  }
0x84: {  	_ =	shalt  }
0x85: {  	_ =	shalt  }
0x86: {  	_ =	shalt  }
0x87: {  	_ =	shalt  }
.Lfunc_end0:
.L_simem_size_0:
called_computation_lowered:
.L_overlay_start_0:
0x88: {  	s2 =	sld [smem:$0x3FD9]  }
0x89: {  	s3 =	sld [smem:$0x3FFE];
	_ =	sdelay $0x1  }
0x8a: {  	s1 =	srdreg.scid  }
0x8b: {  	s0 =	sand.u32 $0x1, s1  }
0x8c: {  	s17 =	sshll.u32 s0, $0xA;
	s2 =	sadd.s32 s3, s2  }
0x8d: {  	s2 =	sadd.s32 s2, s17  }
0x8e: {  	[smem:$0x3FC6] =	sst s2  }
0x8f: {  	_ = 	snop  }
0x90: {  	s2 =	sld [smem:$0x3FC9]  }
0x91: {  	s18 =	sld [smem:$0x3FC8]  }
0x92: {  	s4 =	sld [smem:$0x3FD0];
	(tm) =	ssettm $0x1  }
0x93: {  	s5 =	sld [smem:$0x3FFB];
	_ =	sdelay $0x3  }
0x94: {  	_ =	strace s5  }
0x95: {  	s5 =	sld [smem:$0x3FFC];
	_ =	sdelay $0x3  }
0x96: {  	_ =	strace s5  }
0x97: {  	s5 =	sld [smem:$0x3FFD];
	_ =	sdelay $0x3  }
0x98: {  	_ =	strace s5  }
0x99: {  	_ =	strace $0x8FFFFFFF  }
0x9a: {  	s19 =	sld [smem:$0x3FDB];
	_ =	sdelay $0x1  }
0x9b: {  	s6 =	simm.s32 $_scs_section_size  }
0x9c: {  	s7 =	simm.s32 $_size__tile_overlayer_lowered;
	s8 =	simm.s32 $_tile_overlayer_lowered  }
0x9d: {  	s22 =	simm.s32 $0x1BFF;
	s21 =	sshll.u32 s8, $0x1;
	s5 =	sadd.s32 s6, s19  }
0x9e: {  	s9 =	simm.s32 $0x0;
	s20 =	sshll.u32 s7, $0x1;
	s7 =	sadd.s32 s21, s5  }
0x9f: {  	[timem:s9], [sflag:s22] =	dma.local [hbm:s7], s20  }
0xa0: {  	_ =	swait.ge [sflag:s22], s20  }
0xa1: {  	s6 =	ssub.s32 $0x0, s20;
	[sflag:s22] =	ssyncset.done $0x0  }
0xa2: {  	[sflag:s22] =	ssyncadd.s32 s6;
	_ =	sdelay $0x1  }
0xa3: {  	s23 =	simm.s32 $0x1B8B  }
0xa4: {  	_ =	swait.ge [sflag:s23], $0x1  }
0xa5: {  	[sflag:s23] =	ssyncset.done $0x0  }
0xa6: {  	s25 =	simm.s32 $0x1B8E;
	s24 =	sld [smem:$0x3FFE];
	[sflag:s23] =	ssyncadd.s32 $0xFFFFFFFF  }
0xa7: {  	s26 =	simm.s32 $execute0_lowered;
	[smem:$0x3FD2] =	sst s25  }
0xa8: {  	s7 =	sshll.u32 s26, $0x1;
	_ =	strace $0x80000046;
	[dreg:$0x1] =	wrdreg $0xFFFFFFFF  }
0xa9: {  	s28 =	simm.s32 $_size_execute0_lowered;
	s5 =	sadd.s32 s5, s7;
	[dreg:$0x0] =	wrdreg $0x0  }
0xaa: {  	s7 =	sshll.u32 s28, $0x1;
	[dreg:$0x2] =	wrdreg s5  }
0xab: {  	[dreg:$0x3] =	wrdreg s7  }
0xac: {  	[dreg:$0x4] =	wrdreg $0xC0  }
0xad: {  	_ =	task [dreg:s9], $0x5FFFF  }
0xae: {  	[dreg:$0x1] =	wrdreg $0xFFFFFFFF  }
0xaf: {  	[dreg:$0x0] =	wrdreg $0x60  }
0xb0: {  	[dreg:$0x2] =	wrdreg s2  }
0xb1: {  	[dreg:$0x3] =	wrdreg s18  }
0xb2: {  	[dreg:$0x4] =	wrdreg s24  }
0xb3: {  	[dreg:$0x5] =	wrdreg s4  }
0xb4: {  	[dreg:$0x6] =	wrdreg $0x9  }
0xb5: {  	_ =	task.clear_ibuf [dreg:s9], $0x7FFFF;
	_ =	strace $0x90000046  }
0xb6: {  	s29 =	simm.s32 $0x9;
	_ =	strace $0x80000048  }
0xb7: {  	_ =	swait.ge [sflag:s29], $0x1  }
0xb8: {  	[sflag:s29] =	ssyncadd.s32 $0xFFFFFFFF  }
0xb9: {  	_ =	strace $0x90000048  }
0xba: {  	_ =	sfence  }
0xbb: {  	s30 =	sld [smem:$0x0];
	_ =	sdelay $0x2  }
0xbc: {  	s31 =	sshll.u32 s1, $0xD;
	s1 =	sshrl.u32 s1, $0x2  }
0xbd: {  	s3 =	sand.u32 $0x4000, s31;
	s1 =	sadd.s32 s1, s30  }
0xbe: {  	s0 =	sor.u32 s3, s0;
	s1 =	sshll.u32 s1, $0x11  }
0xbf: {  	s0 =	sor.u32 s1, s0  }
0xc0: {  	s0 =	sadd.s32 $0x8F2B, s0  }
0xc1: {  	[sflag:s0] =	ssyncadd.remote.s32 $0x1  }
0xc2: {  	_ =	sfence.sel $0xFFFF  }
0xc3: {  	[dreg:$0x0] =	wrdreg $0xFFFFFFFF;
	(pc) =	sbr.abs _section_cstart, $3  }
0xc4: {  	[dreg:$0x1] =	wrdreg $0xFFFFFFFF  }
0xc5: {  	_ =	task.clear_ibuf [dreg:s9], $0x2FFFF;
	_ =	strace $0x9FFFFFFF  }
0xc6: {  	(tm) =	ssettm $0x7FFFFFFF  }
0xc7: {  	_ =	shalt  }
tec
execute0_lowered:
.L_overlay_start_1:
0x0: {  	(tag) =	ssettag $0x1  }
0x1: {  	s2 =	rddreg [dreg:$0x0]  }
0x2: {  	s4 =	rddreg [dreg:$0x1];
	s1 =	srdreg.scid  }
0x3: {  	s6 =	rddreg [dreg:$0x2];
	s0 =	stileid.u32;
	s14 =	sand.u32 $0x1, s1  }
0x4: {  	s8 =	rddreg [dreg:$0x3];
	s5 =	sshll.u32 s0, $0x6;
	s7 =	sshll.u32 s14, $0x5  }
0x5: {  	s3 =	simm.s32 $0x0;
	s1 =	rddreg [dreg:$0x4];
	s10 =	sor.u32 s7, s5  }
0x6: {  	[smem:$0x7FF] =	sst s3;
	s9 =	sshrl.u32 s10, $0x3  }
0x7: {  	_ =	strace $0x80000047;
	s5 =	sadd.s32 s4, s9;
	s4 =	simm.s32 $0x2  }
0x8: {  	[tilespmem:s3], [sflag:$0x2] =	stream.linear.gather [hbm4b:s5+s3], $0x20, $0x38;
	[tilespmem:$0x300] =	vst v63  }
0x9: {  	_ =	swait.ge [sflag:s4], $0x20  }
0xa: {  	s15 =	sadd.s32 s9, s6;
	[sflag:s4] =	ssyncset.done $0x0  }
0xb: {  	s7 =	simm.s32 $0x180;
	s6 =	sadd.s32 $0x600, s15;
	[sflag:s4] =	ssyncadd.s32 $0xFFFFFFE0  }
0xc: {  	[tilespmem:s7], [sflag:$0x2] =	stream.linear.gather [hbm4b:s6+s3], $0x20, $0x38;
	[tilespmem:$0x300] =	vst v63  }
0xd: {  	_ =	swait.ge [sflag:s4], $0x20  }
0xe: {  	[sflag:s4] =	ssyncset.done $0x0  }
0xf: {  	s8 =	sadd.s32 s8, s9;
	s9 =	simm.s32 $0x200;
	[sflag:s4] =	ssyncadd.s32 $0xFFFFFFE0  }
0x10: {  	[tilespmem:s9], [sflag:$0x2] =	stream.linear.gather [hbm4b:s8+s3], $0x20, $0x38;
	[tilespmem:$0x300] =	vst v63  }
0x11: {  	_ =	swait.ge [sflag:s4], $0x20  }
0x12: {  	[sflag:s4] =	ssyncset.done $0x0  }
0x13: {  	[sflag:s4] =	ssyncadd.s32 $0xFFFFFFE0  }
0x14: {  	v3 =	vld [tilespmem:$0x10]  }
0x15: {  	v1 =	vlaneseq.u32;
	v0 =	vmov s10;
	v4 =	vld [tilespmem:$0x0]  }
0x16: {  	v2 =	vor.u32 s10, v1;
	s10 =	sor.u32 $0x10, s10;
	v0 =	vshll.u32 v0, $0x3  }
0x17: {  	v2 =	vand.u32 $0x6F, v2;
	v5 =	vmov s10;
	v0 =	vand.u32 $0x1C00, v0  }
0x18: {  	v0 =	vor.u32 v0, v2;
	v2 =	vshll.u32 v5, $0x3  }
0x19: {  	v54 =	vor.u32 s10, v1;
	v1 =	vand.u32 $0x7FFFFC00, v2;
	v6 =	vshll.u32 v3, $0xA  }
0x1a: {  	v3 =	vshll.u32 v3, $0x7;
	v56 =	vshll.u32 v4, $0xA;
	v4 =	vshll.u32 v4, $0x7  }
0x1b: {  	v55 =	vand.u32 $0xFFFFE000, v6;
	v3 =	vand.u32 $0x380, v3;
	v6 =	vand.u32 $0xFFFFE000, v56  }
0x1c: {  	v4 =	vand.u32 $0x380, v4;
	v5 =	vadd.s32 v1, v55;
	v57 =	vor.u32 v6, v0  }
0x1d: {  	v2 =	vand.u32 $0x7F, v54;
	v3 =	vor.u32 v3, v5;
	v4 =	vor.u32 v4, v57  }
0x1e: {  	s11 =	simm.s32 $0x80;
	v3 =	vor.u32 v2, v3;
	[tilespmem:$0x80] =	vst v4  }
0x1f: {  	s12 =	simm.s32 $0x100;
	s13 =	simm.s32 $0x1;
	s10 =	simm.s32 $0x20;
	[tilespmem:$0x90] =	vst v3  }
0x20: {  	[tilespmem:s12], [sflag:$0x1] =	stream.indirect.gather [hbm4b:s2+s10], $0x1, s11, s10, $0xb8;
	[tilespmem:$0x300] =	vst v63  }
0x21: {  	_ =	swait.ge [sflag:s13], $0x20  }
0x22: {  	[sflag:s13] =	ssyncset.done $0x0  }
0x23: {  	[sflag:s13] =	ssyncadd.s32 $0xFFFFFFE0  }
0x24: {  	v3 =	vld [tilespmem:$0x100]  }
0x25: {  	v58 =	vld [tilespmem:$0x110];
	_ =	sdelay $0x3  }
0x26: {  	v59 =	vmul.f32 v3, v3  }
0x27: {  	v60 =	vmul.f32 v58, v58  }
0x28: {  	v5 =	vsub.f32 $1.000000000e+00, v59  }
0x29: {  	v6 =	vsub.f32 $1.000000000e+00, v60  }
0x2a: {  	v7 =	vmax.f32 v5, $9.999999960e-13  }
0x2b: {  	v9 =	vmax.f32 v6, $9.999999960e-13;
	v8 =	vshra.s32 v7, $0x1;
	v7 =	vmul.f32 $5.000000000e-01, v7  }
0x2c: {  	v10 =	vshra.s32 v9, $0x1;
	v9 =	vmul.f32 $5.000000000e-01, v9;
	v8 =	vsub.s32 $0x5F3759DF, v8  }
0x2d: {  	v10 =	vsub.s32 $0x5F3759DF, v10;
	v11 =	vmul.f32 v8, v7  }
0x2e: {  	v12 =	vmul.f32 v10, v9  }
0x2f: {  	v11 =	vmul.f32 v8, v11  }
0x30: {  	v12 =	vmul.f32 v10, v12  }
0x31: {  	v11 =	vsub.f32 $1.500000000e+00, v11  }
0x32: {  	v12 =	vsub.f32 $1.500000000e+00, v12  }
0x33: {  	v8 =	vmul.f32 v8, v11  }
0x34: {  	v10 =	vmul.f32 v10, v12  }
0x35: {  	v11 =	vmul.f32 v8, v7  }
0x36: {  	v12 =	vmul.f32 v10, v9  }
0x37: {  	v11 =	vmul.f32 v11, v8  }
0x38: {  	v12 =	vmul.f32 v12, v10  }
0x39: {  	v11 =	vsub.f32 $1.500000000e+00, v11  }
0x3a: {  	v12 =	vsub.f32 $1.500000000e+00, v12  }
0x3b: {  	v8 =	vmul.f32 v11, v8  }
0x3c: {  	v10 =	vmul.f32 v12, v10  }
0x3d: {  	v7 =	vmul.f32 v8, v7  }
0x3e: {  	v9 =	vmul.f32 v10, v9  }
0x3f: {  	v7 =	vmul.f32 v7, v8  }
0x40: {  	v61 =	vld [tilespmem:$0x180];
	v9 =	vmul.f32 v9, v10  }
0x41: {  	v62 =	vld [tilespmem:$0x210];
	v7 =	vsub.f32 $1.500000000e+00, v7  }
0x42: {  	v13 =	vld [tilespmem:$0x200];
	v9 =	vsub.f32 $1.500000000e+00, v9  }
0x43: {  	v63 =	vld [tilespmem:$0x190];
	v7 =	vmul.f32 v7, v8  }
0x44: {  	v5 =	vmax.f32 v5, $0.0e+00;
	v9 =	vmul.f32 v9, v10  }
0x45: {  	v6 =	vmax.f32 v6, $0.0e+00;
	v5 =	vmul.f32 v7, v5  }
0x46: {  	s14 =	ssub.s32 $0x2, s14;
	v6 =	vmul.f32 v9, v6  }
0x47: {  	s16 =	sshrl.u32 s14, $0x1;
	v3 =	vmul.f32 v61, v3;
	v5 =	vmul.f32 v5, v13  }
0x48: {  	s16 =	ssub.s32 s14, s16;
	v4 =	vmul.f32 v63, v58;
	v6 =	vmul.f32 v6, v62  }
0x49: {  	s16 =	smax.u32 s16, $0x1;
	v3 =	vsub.f32 v3, v5  }
0x4a: {  	p0 =	sne.s32 s16, $0x1;
	v4 =	vsub.f32 v4, v6  }
.Ltmp0:
0x4b: {  	v3 =	vmul.f32 $6.400000000e+01, v3;
	(pc) =	sbr.rel @!p0 .LBB2_2-.Ltmp0, $4  }
0x4c: {  	v4 =	vmul.f32 $6.400000000e+01, v4  }
0x4d: {  	[tilespmem:$0x280] =	vst v3  }
0x4e: {  	s14 =	sadd.s32 $0x800, s15;
	s15 =	simm.s32 $0x280;
	s16 =	sadd.s32 $0xFFFFFFFF, s16;
	[tilespmem:$0x290] =	vst v4  }
0x4f: {  	[hbm4b:s14+s3] =	stream.linear.scatter [tilespmem:s15], [sflag:$0x2], $0x20, $0x38;
	[tilespmem:$0x300] =	vst v63  }
.LBB2_1:
0x50: {  	p0 =	sne.s32 s16, $0x1;
	s16 =	sadd.s32 $0xFFFFFFFF, s16;
	_ =	swait.ge [sflag:s4], $0x20  }
0x51: {  	[sflag:s4] =	ssyncset.done $0x0  }
0x52: {  	[sflag:s4] =	ssyncadd.s32 $0xFFFFFFE0  }
0x53: {  	[tilespmem:s3], [sflag:$0x2] =	stream.linear.gather [hbm4b:s5+s3], $0x20, $0x38;
	[tilespmem:$0x300] =	vst v63  }
0x54: {  	_ =	swait.ge [sflag:s4], $0x20  }
0x55: {  	[sflag:s4] =	ssyncset.done $0x0  }
0x56: {  	[sflag:s4] =	ssyncadd.s32 $0xFFFFFFE0  }
0x57: {  	[tilespmem:s7], [sflag:$0x2] =	stream.linear.gather [hbm4b:s6+s3], $0x20, $0x38;
	[tilespmem:$0x300] =	vst v63  }
0x58: {  	_ =	swait.ge [sflag:s4], $0x20  }
0x59: {  	[sflag:s4] =	ssyncset.done $0x0  }
0x5a: {  	[sflag:s4] =	ssyncadd.s32 $0xFFFFFFE0  }
0x5b: {  	[tilespmem:s9], [sflag:$0x2] =	stream.linear.gather [hbm4b:s8+s3], $0x20, $0x38;
	[tilespmem:$0x300] =	vst v63  }
0x5c: {  	_ =	swait.ge [sflag:s4], $0x20  }
0x5d: {  	[sflag:s4] =	ssyncset.done $0x0  }
0x5e: {  	[sflag:s4] =	ssyncadd.s32 $0xFFFFFFE0  }
0x5f: {  	v3 =	vld [tilespmem:$0x10]  }
0x60: {  	v4 =	vld [tilespmem:$0x0];
	_ =	sdelay $0x3  }
0x61: {  	v5 =	vshll.u32 v3, $0xA;
	v3 =	vshll.u32 v3, $0x7  }
0x62: {  	v6 =	vshll.u32 v4, $0xA;
	v4 =	vshll.u32 v4, $0x7;
	v5 =	vand.u32 $0xFFFFE000, v5  }
0x63: {  	v3 =	vand.u32 $0x380, v3;
	v6 =	vand.u32 $0xFFFFE000, v6;
	v5 =	vadd.s32 v1, v5  }
0x64: {  	v4 =	vand.u32 $0x380, v4;
	v6 =	vor.u32 v6, v0;
	v3 =	vor.u32 v3, v5  }
0x65: {  	v4 =	vor.u32 v4, v6;
	v3 =	vor.u32 v2, v3  }
0x66: {  	[tilespmem:$0x90] =	vst v3  }
0x67: {  	[tilespmem:$0x80] =	vst v4  }
0x68: {  	[tilespmem:s12], [sflag:$0x1] =	stream.indirect.gather [hbm4b:s2+s10], $0x1, s11, s10, $0xb8;
	[tilespmem:$0x300] =	vst v63  }
0x69: {  	_ =	swait.ge [sflag:s13], $0x20  }
0x6a: {  	[sflag:s13] =	ssyncset.done $0x0  }
0x6b: {  	[sflag:s13] =	ssyncadd.s32 $0xFFFFFFE0  }
0x6c: {  	v3 =	vld [tilespmem:$0x100]  }
0x6d: {  	v4 =	vld [tilespmem:$0x110]  }
0x6e: {  	v5 =	vld [tilespmem:$0x180];
	_ =	sdelay $0x2  }
0x6f: {  	v6 =	vmul.f32 v3, v3  }
0x70: {  	v7 =	vmul.f32 v4, v4  }
0x71: {  	v6 =	vsub.f32 $1.000000000e+00, v6;
	v3 =	vmul.f32 v5, v3  }
0x72: {  	v5 =	vsub.f32 $1.000000000e+00, v7  }
0x73: {  	v7 =	vmax.f32 v6, $9.999999960e-13  }
0x74: {  	v8 =	vshra.s32 v7, $0x1;
	v7 =	vmul.f32 $5.000000000e-01, v7;
	v9 =	vmax.f32 v5, $9.999999960e-13  }
0x75: {  	v8 =	vsub.s32 $0x5F3759DF, v8;
	v10 =	vshra.s32 v9, $0x1;
	v9 =	vmul.f32 $5.000000000e-01, v9  }
0x76: {  	v11 =	vmul.f32 v8, v7;
	v10 =	vsub.s32 $0x5F3759DF, v10  }
0x77: {  	v12 =	vmul.f32 v10, v9  }
0x78: {  	v11 =	vmul.f32 v8, v11  }
0x79: {  	v12 =	vmul.f32 v10, v12  }
0x7a: {  	v11 =	vsub.f32 $1.500000000e+00, v11  }
0x7b: {  	v12 =	vsub.f32 $1.500000000e+00, v12  }
0x7c: {  	v8 =	vmul.f32 v8, v11  }
0x7d: {  	v10 =	vmul.f32 v10, v12  }
0x7e: {  	v11 =	vmul.f32 v8, v7  }
0x7f: {  	v12 =	vmul.f32 v10, v9  }
0x80: {  	v11 =	vmul.f32 v11, v8  }
0x81: {  	v12 =	vmul.f32 v12, v10  }
0x82: {  	v11 =	vsub.f32 $1.500000000e+00, v11  }
0x83: {  	v12 =	vsub.f32 $1.500000000e+00, v12  }
0x84: {  	v8 =	vmul.f32 v11, v8  }
0x85: {  	v10 =	vmul.f32 v12, v10  }
0x86: {  	v7 =	vmul.f32 v8, v7  }
0x87: {  	v9 =	vmul.f32 v10, v9  }
0x88: {  	v7 =	vmul.f32 v7, v8  }
0x89: {  	v9 =	vmul.f32 v9, v10;
	v11 =	vld [tilespmem:$0x210]  }
0x8a: {  	v7 =	vsub.f32 $1.500000000e+00, v7;
	v12 =	vld [tilespmem:$0x190]  }
0x8b: {  	v13 =	vld [tilespmem:$0x200];
	v9 =	vsub.f32 $1.500000000e+00, v9  }
0x8c: {  	v7 =	vmul.f32 v7, v8  }
0x8d: {  	v6 =	vmax.f32 v6, $0.0e+00;
	v5 =	vmax.f32 v5, $0.0e+00;
	v8 =	vmul.f32 v9, v10  }
0x8e: {  	v6 =	vmul.f32 v7, v6  }
0x8f: {  	v5 =	vmul.f32 v8, v5  }
0x90: {  	v4 =	vmul.f32 v12, v4;
	v6 =	vmul.f32 v6, v13  }
0x91: {  	v5 =	vmul.f32 v5, v11  }
0x92: {  	v3 =	vsub.f32 v3, v6  }
0x93: {  	v4 =	vsub.f32 v4, v5  }
.Ltmp1:
0x94: {  	v3 =	vmul.f32 $6.400000000e+01, v3;
	(pc) =	sbr.rel @p0 .LBB2_1-.Ltmp1, $4  }
0x95: {  	v4 =	vmul.f32 $6.400000000e+01, v4  }
0x96: {  	[tilespmem:$0x280] =	vst v3  }
0x97: {  	[tilespmem:$0x290] =	vst v4  }
0x98: {  	[hbm4b:s14+s3] =	stream.linear.scatter [tilespmem:s15], [sflag:$0x2], $0x20, $0x38;
	[tilespmem:$0x300] =	vst v63  }
.LBB2_2:
0x99: {  	_ =	swait.ge [sflag:s4], $0x20  }
0x9a: {  	[sflag:s4] =	ssyncset.done $0x0  }
0x9b: {  	[sflag:s4] =	ssyncadd.s32 $0xFFFFFFE0  }
0x9c: {  	_ =	sfence.sel $0x180000  }
0x9d: {  	[bflag:$0x0] =	sbarrier.arrive $0xFFFF  }
0x9e: {  	p0 =	sne.s32 s0, $0x0;
	_ =	strace $0x90000047  }
0x9f: {  	s0 =	sadd.s32 @!p0 $0x100000, s1;
	[bflag:$0x2] =	sbarrier.arrive $0xFFFF  }
0xa0: {  	[sflag:s0] =	ssyncadd.tile.s32 @!p0 $0x1;
	_ =	shalt  }
.Lfunc_end2:
_tile_overlayer_lowered:
.L_overlay_start_2:
0xa1: {  	(tag) =	ssettag $0x2  }
0xa2: {  	s0 =	rddreg [dreg:$0x0];
	s2 =	stileid.u32  }
0xa3: {  	s1 =	rddreg [dreg:$0x1];
	p0 =	sne.s32 s2, $0x0  }
0xa4: {  	s3 =	rddreg [dreg:$0x2];
	[bflag:$0x3] =	sbarrier.arrive $0xFFFF;
	s2 =	simm.s32 @!p0 $0x1C02  }
0xa5: {  	[timem:s3], [sflag:s2] =	dma.local @!p0 [hbm:s0], s1  }
0xa6: {  	s0 =	simm.s32 @!p0 $0x2  }
0xa7: {  	_ =	swait.ge @!p0 [sflag:s0], s1  }
0xa8: {  	s1 =	ssub.s32 @!p0 $0x0, s1;
	[sflag:s0] =	ssyncset.done @!p0 $0x0  }
0xa9: {  	[sflag:s0] =	ssyncadd.s32 @!p0 s1  }
0xaa: {  	[bflag:$0x3] =	sbarrier.arrive $0xFFFF  }
0xab: {  	_ =	shalt  }

</sc_bundles>
